<compile_context>
chip_gen: v7x
topology: tpu7x:2x2x1
jax: 0.10.2.dev20260603
libtpu: 0.0.44.dev20260713+nightly
codegen_flags: <defaults>
</compile_context>

<pallas_src>
import functools

import jax
import jax.numpy as jnp
from jax import lax
from jax.experimental import pallas as pl
from jax.experimental.pallas import tpu as pltpu
from jax.experimental.pallas import tpu_sc as plsc

ROWS, COLS = 8192, 4096
SHIFT = 1024
KEEP = ROWS - SHIFT

NC, NS = 2, 16
NW = NC * NS
BUF_W = ROWS // NW
Y_W = SHIFT // NW
CH = 8
XW0 = KEEP // BUF_W


def _copy_rows(src, src_base, dst, dst_base, nrows, v0, v1, s0, s1, t0, t1):
    def step(j):
        b = src_base + 2 * CH * j
        d = dst_base + 2 * CH * j
        in0 = pltpu.async_copy(src.at[pl.ds(b, CH)], v0, s0)
        in1 = pltpu.async_copy(src.at[pl.ds(b + CH, CH)], v1, s1)
        in0.wait()
        out0 = pltpu.async_copy(v0, dst.at[pl.ds(d, CH)], t0)
        in1.wait()
        out1 = pltpu.async_copy(v1, dst.at[pl.ds(d + CH, CH)], t1)
        out0.wait()
        out1.wait()
    pl.loop(0, nrows // (2 * CH))(step)


def _sc_body(buf_hbm, x_hbm, out_hbm, y_hbm, v0, v1, s0, s1, t0, t1):
    wid = lax.axis_index("s") * NC + lax.axis_index("c")
    obase = wid * BUF_W

    @pl.when(wid < XW0)
    def _():
        _copy_rows(buf_hbm, obase + SHIFT, out_hbm, obase, BUF_W,
                   v0, v1, s0, s1, t0, t1)

    @pl.when(wid >= XW0)
    def _():
        _copy_rows(x_hbm, obase - KEEP, out_hbm, obase, BUF_W,
                   v0, v1, s0, s1, t0, t1)

    _copy_rows(buf_hbm, wid * Y_W, y_hbm, wid * Y_W, Y_W,
               v0, v1, s0, s1, t0, t1)


_sc_fifo = functools.partial(
    pl.kernel,
    out_type=(
        jax.ShapeDtypeStruct((ROWS, COLS), jnp.float32),
        jax.ShapeDtypeStruct((SHIFT, COLS), jnp.float32),
    ),
    mesh=plsc.VectorSubcoreMesh(
        core_axis_name="c", subcore_axis_name="s",
        num_cores=NC, num_subcores=NS),
    scratch_types=[
        pltpu.VMEM((CH, COLS), jnp.float32),
        pltpu.VMEM((CH, COLS), jnp.float32),
        pltpu.SemaphoreType.DMA,
        pltpu.SemaphoreType.DMA,
        pltpu.SemaphoreType.DMA,
        pltpu.SemaphoreType.DMA,
    ],
)(_sc_body)


def kernel(buffer, x):
    out_buf, y = _sc_fifo(buffer, x)
    return (out_buf, y)

# --- scband reference (transcript-rebuilt; emitter-appended) ---
"""Pipeline reference for scband-sync-fifo-55465207660556 (READ-ONLY COPY).

The authoritative reference and input builder live on the scoring server;
editing this copy changes nothing except your own understanding.
"""

import jax, jax.numpy as jnp
import numpy as np

BUF_SHAPE = (8192, 4096)
AXIS = 0
SHIFTLEFT = True


def setup_inputs(seed: int = 0) -> dict:
    key = jax.random.key(seed)
    kx, = jax.random.split(key, 1)
    x = jax.random.normal(kx, (1024, 4096), dtype=jnp.float32)
    # state buffer initialized per simple_sync_fifo.init (init_val=0)
    buffer = jnp.full(BUF_SHAPE, 0, dtype=jnp.float32)
    return {"buffer": buffer, "x": x}


def reference(buffer, x):
    # Faithful translation of _SyncFIFO.apply with axis=0, shiftleft=True
    if x.ndim < buffer.ndim:
        x = jnp.expand_dims(x, AXIS)
    shift = x.shape[AXIS]
    buf = jnp.moveaxis(buffer, AXIS, 0)
    if SHIFTLEFT:
        y = buf[:shift]
        buf = jnp.roll(buf, -shift, axis=0).at[-shift:].set(x)
    else:
        y = buf[-shift:]
        buf = jnp.roll(buf, shift, axis=0).at[:shift].set(x)
    buf = jnp.moveaxis(buf, 0, AXIS)
    # module __call__ returns (new module with updated state, y); we return (new_buffer, y)
    return (buf, y)

if __name__ == "__main__":
    import jax
    _d = setup_inputs()
    print(jax.jit(kernel)(*tuple(_d.values())))

</pallas_src>

<mosaic_0001>
#map = affine_map<(d0, d1) -> (0, 0)>
module attributes {stable_mosaic.version = 14 : i64} {
  func.func @_sc_body(%arg0: i32, %arg1: i32, %arg2: memref<8192x4096xf32, #tpu.memory_space<hbm>>, %arg3: memref<1024x4096xf32, #tpu.memory_space<hbm>>, %arg4: memref<8192x4096xf32, #tpu.memory_space<hbm>>, %arg5: memref<1024x4096xf32, #tpu.memory_space<hbm>>, %arg6: memref<8x4096xf32, #tpu.memory_space<vmem>>, %arg7: memref<8x4096xf32, #tpu.memory_space<vmem>>, %arg8: memref<!tpu.dma_semaphore, #tpu.memory_space<semaphore_mem>>, %arg9: memref<!tpu.dma_semaphore, #tpu.memory_space<semaphore_mem>>, %arg10: memref<!tpu.dma_semaphore, #tpu.memory_space<semaphore_mem>>, %arg11: memref<!tpu.dma_semaphore, #tpu.memory_space<semaphore_mem>>) attributes {dimension_semantics = [#tpu.dimension_semantics<core_parallel>, #tpu.dimension_semantics<subcore_parallel>], iteration_bounds = array<i64: 2, 16>, scalar_prefetch = 0 : i64, scratch_operands = 6 : i64, tpu.core_type = #tpu.core_type<sc_vector_subcore>, window_params = [{transform_indices = #map}, {transform_indices = #map}, {transform_indices = #map}, {transform_indices = #map}]} {
    %mul3A = arith.constant 2 : i32
    %mul3A_0 = arith.muli %arg1, %mul3A : i32
    %add3A = arith.addi %mul3A_0, %arg0 : i32
    %mul3A_1 = arith.constant 256 : i32
    %mul3A_2 = arith.muli %add3A, %mul3A_1 : i32
    %lt3A = arith.constant 28 : i32
    %lt3A_3 = arith.cmpi slt, %add3A, %lt3A : i32
    %convert_element_type3A = arith.extui %lt3A_3 : i1 to i32
    %cond3A = arith.constant 0 : i32
    %cond3A_4 = arith.cmpi ne, %convert_element_type3A, %cond3A : i32
    scf.if %cond3A_4 {
      %add3A_17 = arith.constant 1024 : i32
      %add3A_18 = arith.addi %mul3A_2, %add3A_17 : i32
      %scan3A_19 = arith.constant 0 : i32
      %scan3A_20 = arith.constant 16 : i32
      %scan3A_21 = arith.addi %scan3A_19, %scan3A_20 : i32
      %scan3A_22 = arith.constant 1 : i32
      scf.for %scan3A_24 = %scan3A_19 to %scan3A_21 step %scan3A_22  : i32 {
        %mul3A_25 = arith.constant 1 : i32
        %mul3A_26 = arith.muli %scan3A_24, %mul3A_25 : i32
        %add3A_27 = arith.constant 0 : i32
        %add3A_28 = arith.addi %add3A_27, %mul3A_26 : i32
        %mul3A_29 = arith.constant 16 : i32
        %mul3A_30 = arith.muli %mul3A_29, %add3A_28 : i32
        %add3A_31 = arith.addi %add3A_18, %mul3A_30 : i32
        %mul3A_32 = arith.constant 16 : i32
        %mul3A_33 = arith.muli %mul3A_32, %add3A_28 : i32
        %add3A_34 = arith.addi %mul3A_2, %mul3A_33 : i32
        %dma_start3A = arith.constant 0 : i32
        %dma_start3A_35 = tpu.memref_slice %arg2[%add3A_31, %dma_start3A] : memref<8192x4096xf32, #tpu.memory_space<hbm>> -> memref<8x4096xf32, #tpu.memory_space<hbm>>
        %dma_start3A_36 = arith.constant 0 : i32
        %dma_start3A_37 = tpu.memref_slice %arg2[%add3A_31, %dma_start3A_36] : memref<8192x4096xf32, #tpu.memory_space<hbm>> -> memref<8x4096xf32, #tpu.memory_space<hbm>>
        tpu.enqueue_dma source(%dma_start3A_37 : memref<8x4096xf32, #tpu.memory_space<hbm>>) target(%arg6 : memref<8x4096xf32, #tpu.memory_space<vmem>>) target_semaphore(%arg8 : memref<!tpu.dma_semaphore, #tpu.memory_space<semaphore_mem>>)
        %add3A_38 = arith.constant 8 : i32
        %add3A_39 = arith.addi %add3A_31, %add3A_38 : i32
        %dma_start3A_40 = arith.constant 0 : i32
        %dma_start3A_41 = tpu.memref_slice %arg2[%add3A_39, %dma_start3A_40] : memref<8192x4096xf32, #tpu.memory_space<hbm>> -> memref<8x4096xf32, #tpu.memory_space<hbm>>
        %dma_start3A_42 = arith.constant 0 : i32
        %dma_start3A_43 = tpu.memref_slice %arg2[%add3A_39, %dma_start3A_42] : memref<8192x4096xf32, #tpu.memory_space<hbm>> -> memref<8x4096xf32, #tpu.memory_space<hbm>>
        tpu.enqueue_dma source(%dma_start3A_43 : memref<8x4096xf32, #tpu.memory_space<hbm>>) target(%arg7 : memref<8x4096xf32, #tpu.memory_space<vmem>>) target_semaphore(%arg9 : memref<!tpu.dma_semaphore, #tpu.memory_space<semaphore_mem>>)
        %dma_wait3A = arith.constant 0 : i32
        %dma_wait3A_44 = tpu.memref_slice %arg2[%add3A_31, %dma_wait3A] : memref<8192x4096xf32, #tpu.memory_space<hbm>> -> memref<8x4096xf32, #tpu.memory_space<hbm>>
        %dma_wait3A_45 = arith.constant 0 : i32
        %dma_wait3A_46 = tpu.memref_slice %arg2[%add3A_31, %dma_wait3A_45] : memref<8192x4096xf32, #tpu.memory_space<hbm>> -> memref<8x4096xf32, #tpu.memory_space<hbm>>
        tpu.wait_dma2 semaphore(%arg8 : memref<!tpu.dma_semaphore, #tpu.memory_space<semaphore_mem>>) src(%dma_wait3A_46 : memref<8x4096xf32, #tpu.memory_space<hbm>>) dst(%arg6 : memref<8x4096xf32, #tpu.memory_space<vmem>>)
        %dma_start3A_47 = arith.constant 0 : i32
        %dma_start3A_48 = tpu.memref_slice %arg4[%add3A_34, %dma_start3A_47] : memref<8192x4096xf32, #tpu.memory_space<hbm>> -> memref<8x4096xf32, #tpu.memory_space<hbm>>
        %dma_start3A_49 = arith.constant 0 : i32
        %dma_start3A_50 = tpu.memref_slice %arg4[%add3A_34, %dma_start3A_49] : memref<8192x4096xf32, #tpu.memory_space<hbm>> -> memref<8x4096xf32, #tpu.memory_space<hbm>>
        tpu.enqueue_dma source(%arg6 : memref<8x4096xf32, #tpu.memory_space<vmem>>) target(%dma_start3A_50 : memref<8x4096xf32, #tpu.memory_space<hbm>>) target_semaphore(%arg10 : memref<!tpu.dma_semaphore, #tpu.memory_space<semaphore_mem>>)
        %dma_wait3A_51 = arith.constant 0 : i32
        %dma_wait3A_52 = tpu.memref_slice %arg2[%add3A_39, %dma_wait3A_51] : memref<8192x4096xf32, #tpu.memory_space<hbm>> -> memref<8x4096xf32, #tpu.memory_space<hbm>>
        %dma_wait3A_53 = arith.constant 0 : i32
        %dma_wait3A_54 = tpu.memref_slice %arg2[%add3A_39, %dma_wait3A_53] : memref<8192x4096xf32, #tpu.memory_space<hbm>> -> memref<8x4096xf32, #tpu.memory_space<hbm>>
        tpu.wait_dma2 semaphore(%arg9 : memref<!tpu.dma_semaphore, #tpu.memory_space<semaphore_mem>>) src(%dma_wait3A_54 : memref<8x4096xf32, #tpu.memory_space<hbm>>) dst(%arg7 : memref<8x4096xf32, #tpu.memory_space<vmem>>)
        %add3A_55 = arith.constant 8 : i32
        %add3A_56 = arith.addi %add3A_34, %add3A_55 : i32
        %dma_start3A_57 = arith.constant 0 : i32
        %dma_start3A_58 = tpu.memref_slice %arg4[%add3A_56, %dma_start3A_57] : memref<8192x4096xf32, #tpu.memory_space<hbm>> -> memref<8x4096xf32, #tpu.memory_space<hbm>>
        %dma_start3A_59 = arith.constant 0 : i32
        %dma_start3A_60 = tpu.memref_slice %arg4[%add3A_56, %dma_start3A_59] : memref<8192x4096xf32, #tpu.memory_space<hbm>> -> memref<8x4096xf32, #tpu.memory_space<hbm>>
        tpu.enqueue_dma source(%arg7 : memref<8x4096xf32, #tpu.memory_space<vmem>>) target(%dma_start3A_60 : memref<8x4096xf32, #tpu.memory_space<hbm>>) target_semaphore(%arg11 : memref<!tpu.dma_semaphore, #tpu.memory_space<semaphore_mem>>)
        %dma_wait3A_61 = arith.constant 0 : i32
        %dma_wait3A_62 = tpu.memref_slice %arg4[%add3A_34, %dma_wait3A_61] : memref<8192x4096xf32, #tpu.memory_space<hbm>> -> memref<8x4096xf32, #tpu.memory_space<hbm>>
        %dma_wait3A_63 = arith.constant 0 : i32
        %dma_wait3A_64 = tpu.memref_slice %arg4[%add3A_34, %dma_wait3A_63] : memref<8192x4096xf32, #tpu.memory_space<hbm>> -> memref<8x4096xf32, #tpu.memory_space<hbm>>
        tpu.wait_dma2 semaphore(%arg10 : memref<!tpu.dma_semaphore, #tpu.memory_space<semaphore_mem>>) src(%arg6 : memref<8x4096xf32, #tpu.memory_space<vmem>>) dst(%dma_wait3A_64 : memref<8x4096xf32, #tpu.memory_space<hbm>>)
        %dma_wait3A_65 = arith.constant 0 : i32
        %dma_wait3A_66 = tpu.memref_slice %arg4[%add3A_56, %dma_wait3A_65] : memref<8192x4096xf32, #tpu.memory_space<hbm>> -> memref<8x4096xf32, #tpu.memory_space<hbm>>
        %dma_wait3A_67 = arith.constant 0 : i32
        %dma_wait3A_68 = tpu.memref_slice %arg4[%add3A_56, %dma_wait3A_67] : memref<8192x4096xf32, #tpu.memory_space<hbm>> -> memref<8x4096xf32, #tpu.memory_space<hbm>>
        tpu.wait_dma2 semaphore(%arg11 : memref<!tpu.dma_semaphore, #tpu.memory_space<semaphore_mem>>) src(%arg7 : memref<8x4096xf32, #tpu.memory_space<vmem>>) dst(%dma_wait3A_68 : memref<8x4096xf32, #tpu.memory_space<hbm>>)
      }
      %scan3A_23 = arith.constant 16 : i32
    } else {
    }
    %ge3A = arith.constant 28 : i32
    %ge3A_5 = arith.cmpi sge, %add3A, %ge3A : i32
    %convert_element_type3A_6 = arith.extui %ge3A_5 : i1 to i32
    %cond3A_7 = arith.constant 0 : i32
    %cond3A_8 = arith.cmpi ne, %convert_element_type3A_6, %cond3A_7 : i32
    scf.if %cond3A_8 {
      %sub3A = arith.constant 7168 : i32
      %sub3A_17 = arith.subi %mul3A_2, %sub3A : i32
      %scan3A_18 = arith.constant 0 : i32
      %scan3A_19 = arith.constant 16 : i32
      %scan3A_20 = arith.addi %scan3A_18, %scan3A_19 : i32
      %scan3A_21 = arith.constant 1 : i32
      scf.for %scan3A_23 = %scan3A_18 to %scan3A_20 step %scan3A_21  : i32 {
        %mul3A_24 = arith.constant 1 : i32
        %mul3A_25 = arith.muli %scan3A_23, %mul3A_24 : i32
        %add3A_26 = arith.constant 0 : i32
        %add3A_27 = arith.addi %add3A_26, %mul3A_25 : i32
        %mul3A_28 = arith.constant 16 : i32
        %mul3A_29 = arith.muli %mul3A_28, %add3A_27 : i32
        %add3A_30 = arith.addi %sub3A_17, %mul3A_29 : i32
        %mul3A_31 = arith.constant 16 : i32
        %mul3A_32 = arith.muli %mul3A_31, %add3A_27 : i32
        %add3A_33 = arith.addi %mul3A_2, %mul3A_32 : i32
        %dma_start3A = arith.constant 0 : i32
        %dma_start3A_34 = tpu.memref_slice %arg3[%add3A_30, %dma_start3A] : memref<1024x4096xf32, #tpu.memory_space<hbm>> -> memref<8x4096xf32, #tpu.memory_space<hbm>>
        %dma_start3A_35 = arith.constant 0 : i32
        %dma_start3A_36 = tpu.memref_slice %arg3[%add3A_30, %dma_start3A_35] : memref<1024x4096xf32, #tpu.memory_space<hbm>> -> memref<8x4096xf32, #tpu.memory_space<hbm>>
        tpu.enqueue_dma source(%dma_start3A_36 : memref<8x4096xf32, #tpu.memory_space<hbm>>) target(%arg6 : memref<8x4096xf32, #tpu.memory_space<vmem>>) target_semaphore(%arg8 : memref<!tpu.dma_semaphore, #tpu.memory_space<semaphore_mem>>)
        %add3A_37 = arith.constant 8 : i32
        %add3A_38 = arith.addi %add3A_30, %add3A_37 : i32
        %dma_start3A_39 = arith.constant 0 : i32
        %dma_start3A_40 = tpu.memref_slice %arg3[%add3A_38, %dma_start3A_39] : memref<1024x4096xf32, #tpu.memory_space<hbm>> -> memref<8x4096xf32, #tpu.memory_space<hbm>>
        %dma_start3A_41 = arith.constant 0 : i32
        %dma_start3A_42 = tpu.memref_slice %arg3[%add3A_38, %dma_start3A_41] : memref<1024x4096xf32, #tpu.memory_space<hbm>> -> memref<8x4096xf32, #tpu.memory_space<hbm>>
        tpu.enqueue_dma source(%dma_start3A_42 : memref<8x4096xf32, #tpu.memory_space<hbm>>) target(%arg7 : memref<8x4096xf32, #tpu.memory_space<vmem>>) target_semaphore(%arg9 : memref<!tpu.dma_semaphore, #tpu.memory_space<semaphore_mem>>)
        %dma_wait3A = arith.constant 0 : i32
        %dma_wait3A_43 = tpu.memref_slice %arg3[%add3A_30, %dma_wait3A] : memref<1024x4096xf32, #tpu.memory_space<hbm>> -> memref<8x4096xf32, #tpu.memory_space<hbm>>
        %dma_wait3A_44 = arith.constant 0 : i32
        %dma_wait3A_45 = tpu.memref_slice %arg3[%add3A_30, %dma_wait3A_44] : memref<1024x4096xf32, #tpu.memory_space<hbm>> -> memref<8x4096xf32, #tpu.memory_space<hbm>>
        tpu.wait_dma2 semaphore(%arg8 : memref<!tpu.dma_semaphore, #tpu.memory_space<semaphore_mem>>) src(%dma_wait3A_45 : memref<8x4096xf32, #tpu.memory_space<hbm>>) dst(%arg6 : memref<8x4096xf32, #tpu.memory_space<vmem>>)
        %dma_start3A_46 = arith.constant 0 : i32
        %dma_start3A_47 = tpu.memref_slice %arg4[%add3A_33, %dma_start3A_46] : memref<8192x4096xf32, #tpu.memory_space<hbm>> -> memref<8x4096xf32, #tpu.memory_space<hbm>>
        %dma_start3A_48 = arith.constant 0 : i32
        %dma_start3A_49 = tpu.memref_slice %arg4[%add3A_33, %dma_start3A_48] : memref<8192x4096xf32, #tpu.memory_space<hbm>> -> memref<8x4096xf32, #tpu.memory_space<hbm>>
        tpu.enqueue_dma source(%arg6 : memref<8x4096xf32, #tpu.memory_space<vmem>>) target(%dma_start3A_49 : memref<8x4096xf32, #tpu.memory_space<hbm>>) target_semaphore(%arg10 : memref<!tpu.dma_semaphore, #tpu.memory_space<semaphore_mem>>)
        %dma_wait3A_50 = arith.constant 0 : i32
        %dma_wait3A_51 = tpu.memref_slice %arg3[%add3A_38, %dma_wait3A_50] : memref<1024x4096xf32, #tpu.memory_space<hbm>> -> memref<8x4096xf32, #tpu.memory_space<hbm>>
        %dma_wait3A_52 = arith.constant 0 : i32
        %dma_wait3A_53 = tpu.memref_slice %arg3[%add3A_38, %dma_wait3A_52] : memref<1024x4096xf32, #tpu.memory_space<hbm>> -> memref<8x4096xf32, #tpu.memory_space<hbm>>
        tpu.wait_dma2 semaphore(%arg9 : memref<!tpu.dma_semaphore, #tpu.memory_space<semaphore_mem>>) src(%dma_wait3A_53 : memref<8x4096xf32, #tpu.memory_space<hbm>>) dst(%arg7 : memref<8x4096xf32, #tpu.memory_space<vmem>>)
        %add3A_54 = arith.constant 8 : i32
        %add3A_55 = arith.addi %add3A_33, %add3A_54 : i32
        %dma_start3A_56 = arith.constant 0 : i32
        %dma_start3A_57 = tpu.memref_slice %arg4[%add3A_55, %dma_start3A_56] : memref<8192x4096xf32, #tpu.memory_space<hbm>> -> memref<8x4096xf32, #tpu.memory_space<hbm>>
        %dma_start3A_58 = arith.constant 0 : i32
        %dma_start3A_59 = tpu.memref_slice %arg4[%add3A_55, %dma_start3A_58] : memref<8192x4096xf32, #tpu.memory_space<hbm>> -> memref<8x4096xf32, #tpu.memory_space<hbm>>
        tpu.enqueue_dma source(%arg7 : memref<8x4096xf32, #tpu.memory_space<vmem>>) target(%dma_start3A_59 : memref<8x4096xf32, #tpu.memory_space<hbm>>) target_semaphore(%arg11 : memref<!tpu.dma_semaphore, #tpu.memory_space<semaphore_mem>>)
        %dma_wait3A_60 = arith.constant 0 : i32
        %dma_wait3A_61 = tpu.memref_slice %arg4[%add3A_33, %dma_wait3A_60] : memref<8192x4096xf32, #tpu.memory_space<hbm>> -> memref<8x4096xf32, #tpu.memory_space<hbm>>
        %dma_wait3A_62 = arith.constant 0 : i32
        %dma_wait3A_63 = tpu.memref_slice %arg4[%add3A_33, %dma_wait3A_62] : memref<8192x4096xf32, #tpu.memory_space<hbm>> -> memref<8x4096xf32, #tpu.memory_space<hbm>>
        tpu.wait_dma2 semaphore(%arg10 : memref<!tpu.dma_semaphore, #tpu.memory_space<semaphore_mem>>) src(%arg6 : memref<8x4096xf32, #tpu.memory_space<vmem>>) dst(%dma_wait3A_63 : memref<8x4096xf32, #tpu.memory_space<hbm>>)
        %dma_wait3A_64 = arith.constant 0 : i32
        %dma_wait3A_65 = tpu.memref_slice %arg4[%add3A_55, %dma_wait3A_64] : memref<8192x4096xf32, #tpu.memory_space<hbm>> -> memref<8x4096xf32, #tpu.memory_space<hbm>>
        %dma_wait3A_66 = arith.constant 0 : i32
        %dma_wait3A_67 = tpu.memref_slice %arg4[%add3A_55, %dma_wait3A_66] : memref<8192x4096xf32, #tpu.memory_space<hbm>> -> memref<8x4096xf32, #tpu.memory_space<hbm>>
        tpu.wait_dma2 semaphore(%arg11 : memref<!tpu.dma_semaphore, #tpu.memory_space<semaphore_mem>>) src(%arg7 : memref<8x4096xf32, #tpu.memory_space<vmem>>) dst(%dma_wait3A_67 : memref<8x4096xf32, #tpu.memory_space<hbm>>)
      }
      %scan3A_22 = arith.constant 16 : i32
    } else {
    }
    %mul3A_9 = arith.constant 32 : i32
    %mul3A_10 = arith.muli %add3A, %mul3A_9 : i32
    %mul3A_11 = arith.constant 32 : i32
    %mul3A_12 = arith.muli %add3A, %mul3A_11 : i32
    %scan3A = arith.constant 0 : i32
    %scan3A_13 = arith.constant 2 : i32
    %scan3A_14 = arith.addi %scan3A, %scan3A_13 : i32
    %scan3A_15 = arith.constant 1 : i32
    scf.for %scan3A_17 = %scan3A to %scan3A_14 step %scan3A_15  : i32 {
      %mul3A_18 = arith.constant 1 : i32
      %mul3A_19 = arith.muli %scan3A_17, %mul3A_18 : i32
      %add3A_20 = arith.constant 0 : i32
      %add3A_21 = arith.addi %add3A_20, %mul3A_19 : i32
      %mul3A_22 = arith.constant 16 : i32
      %mul3A_23 = arith.muli %mul3A_22, %add3A_21 : i32
      %add3A_24 = arith.addi %mul3A_10, %mul3A_23 : i32
      %mul3A_25 = arith.constant 16 : i32
      %mul3A_26 = arith.muli %mul3A_25, %add3A_21 : i32
      %add3A_27 = arith.addi %mul3A_12, %mul3A_26 : i32
      %dma_start3A = arith.constant 0 : i32
      %dma_start3A_28 = tpu.memref_slice %arg2[%add3A_24, %dma_start3A] : memref<8192x4096xf32, #tpu.memory_space<hbm>> -> memref<8x4096xf32, #tpu.memory_space<hbm>>
      %dma_start3A_29 = arith.constant 0 : i32
      %dma_start3A_30 = tpu.memref_slice %arg2[%add3A_24, %dma_start3A_29] : memref<8192x4096xf32, #tpu.memory_space<hbm>> -> memref<8x4096xf32, #tpu.memory_space<hbm>>
      tpu.enqueue_dma source(%dma_start3A_30 : memref<8x4096xf32, #tpu.memory_space<hbm>>) target(%arg6 : memref<8x4096xf32, #tpu.memory_space<vmem>>) target_semaphore(%arg8 : memref<!tpu.dma_semaphore, #tpu.memory_space<semaphore_mem>>)
      %add3A_31 = arith.constant 8 : i32
      %add3A_32 = arith.addi %add3A_24, %add3A_31 : i32
      %dma_start3A_33 = arith.constant 0 : i32
      %dma_start3A_34 = tpu.memref_slice %arg2[%add3A_32, %dma_start3A_33] : memref<8192x4096xf32, #tpu.memory_space<hbm>> -> memref<8x4096xf32, #tpu.memory_space<hbm>>
      %dma_start3A_35 = arith.constant 0 : i32
      %dma_start3A_36 = tpu.memref_slice %arg2[%add3A_32, %dma_start3A_35] : memref<8192x4096xf32, #tpu.memory_space<hbm>> -> memref<8x4096xf32, #tpu.memory_space<hbm>>
      tpu.enqueue_dma source(%dma_start3A_36 : memref<8x4096xf32, #tpu.memory_space<hbm>>) target(%arg7 : memref<8x4096xf32, #tpu.memory_space<vmem>>) target_semaphore(%arg9 : memref<!tpu.dma_semaphore, #tpu.memory_space<semaphore_mem>>)
      %dma_wait3A = arith.constant 0 : i32
      %dma_wait3A_37 = tpu.memref_slice %arg2[%add3A_24, %dma_wait3A] : memref<8192x4096xf32, #tpu.memory_space<hbm>> -> memref<8x4096xf32, #tpu.memory_space<hbm>>
      %dma_wait3A_38 = arith.constant 0 : i32
      %dma_wait3A_39 = tpu.memref_slice %arg2[%add3A_24, %dma_wait3A_38] : memref<8192x4096xf32, #tpu.memory_space<hbm>> -> memref<8x4096xf32, #tpu.memory_space<hbm>>
      tpu.wait_dma2 semaphore(%arg8 : memref<!tpu.dma_semaphore, #tpu.memory_space<semaphore_mem>>) src(%dma_wait3A_39 : memref<8x4096xf32, #tpu.memory_space<hbm>>) dst(%arg6 : memref<8x4096xf32, #tpu.memory_space<vmem>>)
      %dma_start3A_40 = arith.constant 0 : i32
      %dma_start3A_41 = tpu.memref_slice %arg5[%add3A_27, %dma_start3A_40] : memref<1024x4096xf32, #tpu.memory_space<hbm>> -> memref<8x4096xf32, #tpu.memory_space<hbm>>
      %dma_start3A_42 = arith.constant 0 : i32
      %dma_start3A_43 = tpu.memref_slice %arg5[%add3A_27, %dma_start3A_42] : memref<1024x4096xf32, #tpu.memory_space<hbm>> -> memref<8x4096xf32, #tpu.memory_space<hbm>>
      tpu.enqueue_dma source(%arg6 : memref<8x4096xf32, #tpu.memory_space<vmem>>) target(%dma_start3A_43 : memref<8x4096xf32, #tpu.memory_space<hbm>>) target_semaphore(%arg10 : memref<!tpu.dma_semaphore, #tpu.memory_space<semaphore_mem>>)
      %dma_wait3A_44 = arith.constant 0 : i32
      %dma_wait3A_45 = tpu.memref_slice %arg2[%add3A_32, %dma_wait3A_44] : memref<8192x4096xf32, #tpu.memory_space<hbm>> -> memref<8x4096xf32, #tpu.memory_space<hbm>>
      %dma_wait3A_46 = arith.constant 0 : i32
      %dma_wait3A_47 = tpu.memref_slice %arg2[%add3A_32, %dma_wait3A_46] : memref<8192x4096xf32, #tpu.memory_space<hbm>> -> memref<8x4096xf32, #tpu.memory_space<hbm>>
      tpu.wait_dma2 semaphore(%arg9 : memref<!tpu.dma_semaphore, #tpu.memory_space<semaphore_mem>>) src(%dma_wait3A_47 : memref<8x4096xf32, #tpu.memory_space<hbm>>) dst(%arg7 : memref<8x4096xf32, #tpu.memory_space<vmem>>)
      %add3A_48 = arith.constant 8 : i32
      %add3A_49 = arith.addi %add3A_27, %add3A_48 : i32
      %dma_start3A_50 = arith.constant 0 : i32
      %dma_start3A_51 = tpu.memref_slice %arg5[%add3A_49, %dma_start3A_50] : memref<1024x4096xf32, #tpu.memory_space<hbm>> -> memref<8x4096xf32, #tpu.memory_space<hbm>>
      %dma_start3A_52 = arith.constant 0 : i32
      %dma_start3A_53 = tpu.memref_slice %arg5[%add3A_49, %dma_start3A_52] : memref<1024x4096xf32, #tpu.memory_space<hbm>> -> memref<8x4096xf32, #tpu.memory_space<hbm>>
      tpu.enqueue_dma source(%arg7 : memref<8x4096xf32, #tpu.memory_space<vmem>>) target(%dma_start3A_53 : memref<8x4096xf32, #tpu.memory_space<hbm>>) target_semaphore(%arg11 : memref<!tpu.dma_semaphore, #tpu.memory_space<semaphore_mem>>)
      %dma_wait3A_54 = arith.constant 0 : i32
      %dma_wait3A_55 = tpu.memref_slice %arg5[%add3A_27, %dma_wait3A_54] : memref<1024x4096xf32, #tpu.memory_space<hbm>> -> memref<8x4096xf32, #tpu.memory_space<hbm>>
      %dma_wait3A_56 = arith.constant 0 : i32
      %dma_wait3A_57 = tpu.memref_slice %arg5[%add3A_27, %dma_wait3A_56] : memref<1024x4096xf32, #tpu.memory_space<hbm>> -> memref<8x4096xf32, #tpu.memory_space<hbm>>
      tpu.wait_dma2 semaphore(%arg10 : memref<!tpu.dma_semaphore, #tpu.memory_space<semaphore_mem>>) src(%arg6 : memref<8x4096xf32, #tpu.memory_space<vmem>>) dst(%dma_wait3A_57 : memref<8x4096xf32, #tpu.memory_space<hbm>>)
      %dma_wait3A_58 = arith.constant 0 : i32
      %dma_wait3A_59 = tpu.memref_slice %arg5[%add3A_49, %dma_wait3A_58] : memref<1024x4096xf32, #tpu.memory_space<hbm>> -> memref<8x4096xf32, #tpu.memory_space<hbm>>
      %dma_wait3A_60 = arith.constant 0 : i32
      %dma_wait3A_61 = tpu.memref_slice %arg5[%add3A_49, %dma_wait3A_60] : memref<1024x4096xf32, #tpu.memory_space<hbm>> -> memref<8x4096xf32, #tpu.memory_space<hbm>>
      tpu.wait_dma2 semaphore(%arg11 : memref<!tpu.dma_semaphore, #tpu.memory_space<semaphore_mem>>) src(%arg7 : memref<8x4096xf32, #tpu.memory_space<vmem>>) dst(%dma_wait3A_61 : memref<8x4096xf32, #tpu.memory_space<hbm>>)
    }
    %scan3A_16 = arith.constant 2 : i32
    return
  }
}

</mosaic_0001>

<sc_bundles>
// kernel: kernel.3.cloned.1.call-start
scs
__scs_entry_jumppad:
0x0: {  	(pc) =	sbr.rel $0x88, $3  }
0x1: {  	(tag) =	ssettag $0x0;
	lr =	simm.s32 $0x1  }
0x2: {  	[smem:$0x3F9F] =	sst lr;
	_ =	strace $0xD0000000  }
0x3: {  	_ = 	snop  }
0x4: {  	_ = 	snop  }
0x5: {  	_ = 	snop  }
0x6: {  	_ = 	snop  }
0x7: {  	_ = 	snop  }
__scs_overlays_trampoline_lowered:
0x8: {  	[smem:$0x3FAE] =	sst s0  }
0x9: {  	[smem:$0x3FAF] =	sst s1  }
0xa: {  	[smem:$0x3FB0] =	sst s2  }
0xb: {  	[smem:$0x3FB1] =	sst s3  }
0xc: {  	[smem:$0x3FB2] =	sst s4  }
0xd: {  	[smem:$0x3FB3] =	sst s5  }
0xe: {  	[smem:$0x3FB4] =	sst s6  }
0xf: {  	[smem:$0x3FB5] =	sst s7  }
0x10: {  	[smem:$0x3FB6] =	sst s8  }
0x11: {  	[smem:$0x3FB7] =	sst s9;
	s0 =	simm.s32 @!p0 $0x0  }
0x12: {  	s1 =	sld [smem:$0x3F9D];
	s0 =	simm.s32 @p0 $0x1  }
0x13: {  	[smem:$0x3FB8] =	sst s0;
	s0 =	simm.s32 @!p1 $0x0  }
0x14: {  	s2 =	sld [smem:$0x3F9C];
	s0 =	simm.s32 @p1 $0x1  }
0x15: {  	[smem:$0x3FB9] =	sst s0;
	s0 =	simm.s32 @!p2 $0x0  }
0x16: {  	s3 =	sld [smem:$0x3FDB];
	s0 =	simm.s32 @p2 $0x1  }
0x17: {  	s4 =	simm.s32 $0x1BF5;
	[smem:$0x3FBB] =	sst s0  }
0x18: {  	s0 =	sld [smem:$0x3F9E];
	_ =	swait.ge [sflag:s4], $0x0  }
0x19: {  	s7 =	sld [smem:$0x3F9F]  }
0x1a: {  	s8 =	sadd.s32 $0xFFFFE003, lr  }
0x1b: {  	s9 =	sadd.s32 $0xFFFFFEF7, lr;
	s5 =	simm.s32 $0xFFFFFFFF;
	p2 =	slt.u32 s8, $0xFFFFF086  }
0x1c: {  	p1 =	slt.u32 s9, $0xF7A;
	s5 =	simm.s32 @!p2 $0x0  }
0x1d: {  	s5 =	simm.s32 @p1 $0x1;
	p0 =	seq.s32 s7, s2  }
0x1e: {  	s7 =	smul.u32 @!p0 $0xF7A, s2;
	p2 =	seq.s32 @!p0 s5, $0x0  }
0x1f: {  	s9 =	smul.u32 $0xF7A, s1;
	s8 =	simm.s32 @!p0 $0x1BF5;
	p2 =	por !p2, p0  }
0x20: {  	[sflag:s8] =	ssyncset.s32 @!p0 $0xFFFFF086;
	s6 =	sadd.s32 @!p0 s3, s7;
	s7 =	simm.s32 @!p0 $0x108  }
0x21: {  	s3 =	sadd.s32 s3, s9;
	s6 =	sadd.s32 @!p0 $0x88, s6;
	s7 =	simm.s32 @p2 $0x1082  }
0x22: {  	[simem:s7], [sflag:s8] =	dma.local @!p0 [hbm:s6], $0xF7A  }
0x23: {  	s9 =	sor.u32 $0xD0000000, s2;
	s6 =	simm.s32 $0x108;
	_ =	swait.ge @!p0 [sflag:s8], $0x0  }
0x24: {  	s3 =	sadd.s32 $0x88, s3;
	s6 =	simm.s32 @!p1 $0x1082;
	[sflag:s4] =	ssyncset.s32 $0xFFFFF086  }
0x25: {  	[simem:s6], [sflag:s4] =	dma.local [hbm:s3], $0xF7A  }
0x26: {  	[smem:$0x3F9F] =	sst s1;
	(tag) =	ssettag s2;
	_ =	strace s9  }
0x27: {  	s1 =	sld [smem:$0x3FAF]  }
0x28: {  	s2 =	sld [smem:$0x3FB0]  }
0x29: {  	s4 =	sld [smem:$0x3FB2]  }
0x2a: {  	p0 =	seq.s32 s5, $0x0;
	s5 =	sld [smem:$0x3FB3]  }
0x2b: {  	s6 =	sld [smem:$0x3FB4]  }
0x2c: {  	s7 =	sld [smem:$0x3FB5]  }
0x2d: {  	s3 =	simm.s32 $0x108;
	s8 =	sld [smem:$0x3FB6]  }
0x2e: {  	s3 =	simm.s32 @!p0 $0x1082;
	s9 =	sld [smem:$0x3FB7]  }
0x2f: {  	lr =	sadd.s32 s0, s3;
	s0 =	sld [smem:$0x3FAE]  }
0x30: {  	s3 =	sld [smem:$0x3FB1]  }
0x31: {  	[smem:$0x3FBA] =	sst s10  }
0x32: {  	s10 =	sld [smem:$0x3FB8];
	_ =	sdelay $0x3  }
0x33: {  	p0 =	seq.s32 s10, $0x1;
	s10 =	sld [smem:$0x3FBA];
	_ =	sdelay $0x3  }
0x34: {  	[smem:$0x3FBA] =	sst s10  }
0x35: {  	s10 =	sld [smem:$0x3FB9];
	_ =	sdelay $0x3  }
0x36: {  	p1 =	seq.s32 s10, $0x1;
	s10 =	sld [smem:$0x3FBA];
	_ =	sdelay $0x3  }
0x37: {  	[smem:$0x3FBA] =	sst s10  }
0x38: {  	s10 =	sld [smem:$0x3FBB]  }
0x39: {  	_ = 	snop;
	(pc) =	sbr.ind lr, $3  }
0x3a: {  	_ = 	snop  }
0x3b: {  	_ = 	snop  }
0x3c: {  	p2 =	seq.s32 s10, $0x1;
	s10 =	sld [smem:$0x3FBA]  }
0x3d: {  	_ =	shalt  }
0x3e: {  	_ =	shalt  }
0x3f: {  	_ =	shalt  }
0x40: {  	_ =	shalt  }
0x41: {  	_ =	shalt  }
0x42: {  	_ =	shalt  }
0x43: {  	_ =	shalt  }
0x44: {  	_ =	shalt  }
0x45: {  	_ =	shalt  }
0x46: {  	_ =	shalt  }
0x47: {  	_ =	shalt  }
0x48: {  	_ =	shalt  }
0x49: {  	_ =	shalt  }
0x4a: {  	_ =	shalt  }
0x4b: {  	_ =	shalt  }
0x4c: {  	_ =	shalt  }
0x4d: {  	_ =	shalt  }
0x4e: {  	_ =	shalt  }
0x4f: {  	_ =	shalt  }
0x50: {  	_ =	shalt  }
0x51: {  	_ =	shalt  }
0x52: {  	_ =	shalt  }
0x53: {  	_ =	shalt  }
0x54: {  	_ =	shalt  }
0x55: {  	_ =	shalt  }
0x56: {  	_ =	shalt  }
0x57: {  	_ =	shalt  }
0x58: {  	_ =	shalt  }
0x59: {  	_ =	shalt  }
0x5a: {  	_ =	shalt  }
0x5b: {  	_ =	shalt  }
0x5c: {  	_ =	shalt  }
0x5d: {  	_ =	shalt  }
0x5e: {  	_ =	shalt  }
0x5f: {  	_ =	shalt  }
0x60: {  	_ =	shalt  }
0x61: {  	_ =	shalt  }
0x62: {  	_ =	shalt  }
0x63: {  	_ =	shalt  }
0x64: {  	_ =	shalt  }
0x65: {  	_ =	shalt  }
0x66: {  	_ =	shalt  }
0x67: {  	_ =	shalt  }
0x68: {  	_ =	shalt  }
0x69: {  	_ =	shalt  }
0x6a: {  	_ =	shalt  }
0x6b: {  	_ =	shalt  }
0x6c: {  	_ =	shalt  }
0x6d: {  	_ =	shalt  }
0x6e: {  	_ =	shalt  }
0x6f: {  	_ =	shalt  }
0x70: {  	_ =	shalt  }
0x71: {  	_ =	shalt  }
0x72: {  	_ =	shalt  }
0x73: {  	_ =	shalt  }
0x74: {  	_ =	shalt  }
0x75: {  	_ =	shalt  }
0x76: {  	_ =	shalt  }
0x77: {  	_ =	shalt  }
0x78: {  	_ =	shalt  }
0x79: {  	_ =	shalt  }
0x7a: {  	_ =	shalt  }
0x7b: {  	_ =	shalt  }
0x7c: {  	_ =	shalt  }
0x7d: {  	_ =	shalt  }
0x7e: {  	_ =	shalt  }
0x7f: {  	_ =	shalt  }
0x80: {  	_ =	shalt  }
0x81: {  	_ =	shalt  }
0x82: {  	_ =	shalt  }
0x83: {  	_ =	shalt  }
0x84: {  	_ =	shalt  }
0x85: {  	_ =	shalt  }
0x86: {  	_ =	shalt  }
0x87: {  	_ =	shalt  }
.Lfunc_end0:
.L_simem_size_0:
called_computation_lowered:
.L_overlay_start_0:
0x88: {  	s2 =	sld [smem:$0x3FD9]  }
0x89: {  	s3 =	sld [smem:$0x3FFE];
	_ =	sdelay $0x1  }
0x8a: {  	s1 =	srdreg.scid  }
0x8b: {  	s0 =	sand.u32 $0x1, s1  }
0x8c: {  	s15 =	sshll.u32 s0, $0xA;
	s2 =	sadd.s32 s3, s2  }
0x8d: {  	s2 =	sadd.s32 s2, s15  }
0x8e: {  	[smem:$0x3FC6] =	sst s2  }
0x8f: {  	_ = 	snop  }
0x90: {  	s2 =	sld [smem:$0x3FD0];
	_ =	sdelay $0x1  }
0x91: {  	s16 =	sld [smem:$0x3FC9]  }
0x92: {  	s5 =	simm.s32 $0xA;
	s6 =	simm.s32 $0x10;
	s4 =	sld [smem:$0x3FC8]  }
0x93: {  	[smem:s6], [sflag:s5] =	dma.local [hbm:s2], $0x1  }
0x94: {  	_ =	swait.eq [sflag:s5], $0x1  }
0x95: {  	[sflag:s5] =	ssyncset.done $0x0  }
0x96: {  	s17 =	sld [smem:$0x10];
	[sflag:s5] =	ssyncadd.s32 $0xFFFFFFFF  }
0x97: {  	s18 =	sld [smem:$0x11];
	(tm) =	ssettm $0x1  }
0x98: {  	s19 =	sld [smem:$0x3FFB];
	_ =	sdelay $0x3  }
0x99: {  	_ =	strace s19  }
0x9a: {  	s6 =	sld [smem:$0x3FFC];
	_ =	sdelay $0x3  }
0x9b: {  	_ =	strace s6  }
0x9c: {  	s6 =	sld [smem:$0x3FFD];
	_ =	sdelay $0x3  }
0x9d: {  	_ =	strace s6  }
0x9e: {  	_ =	strace $0x8FFFFFFF  }
0x9f: {  	s20 =	sld [smem:$0x3FDB];
	_ =	sdelay $0x1  }
0xa0: {  	s7 =	simm.s32 $_scs_section_size  }
0xa1: {  	s8 =	simm.s32 $_size__tile_overlayer_lowered;
	s9 =	simm.s32 $_tile_overlayer_lowered  }
0xa2: {  	s23 =	simm.s32 $0x1BFF;
	s22 =	sshll.u32 s9, $0x1;
	s6 =	sadd.s32 s7, s20  }
0xa3: {  	s10 =	simm.s32 $0x0;
	s21 =	sshll.u32 s8, $0x1;
	s8 =	sadd.s32 s22, s6  }
0xa4: {  	[timem:s10], [sflag:s23] =	dma.local [hbm:s8], s21  }
0xa5: {  	_ =	swait.ge [sflag:s23], s21  }
0xa6: {  	s7 =	ssub.s32 $0x0, s21;
	[sflag:s23] =	ssyncset.done $0x0  }
0xa7: {  	[sflag:s23] =	ssyncadd.s32 s7;
	_ =	sdelay $0x1  }
0xa8: {  	s24 =	simm.s32 $0x1B8B  }
0xa9: {  	_ =	swait.ge [sflag:s24], $0x1  }
0xaa: {  	[sflag:s24] =	ssyncset.done $0x0  }
0xab: {  	s25 =	simm.s32 $0x1B8E;
	[sflag:s24] =	ssyncadd.s32 $0xFFFFFFFF  }
0xac: {  	s26 =	simm.s32 $execute0_lowered;
	[smem:$0x3FD2] =	sst s25  }
0xad: {  	s7 =	sshll.u32 s26, $0x1;
	_ =	strace $0x80000046;
	[dreg:$0x1] =	wrdreg $0xFFFFFFFF  }
0xae: {  	s28 =	simm.s32 $_size_execute0_lowered;
	s6 =	sadd.s32 s6, s7;
	[dreg:$0x0] =	wrdreg $0x0  }
0xaf: {  	s7 =	sshll.u32 s28, $0x1;
	[dreg:$0x2] =	wrdreg s6  }
0xb0: {  	[dreg:$0x3] =	wrdreg s7  }
0xb1: {  	[dreg:$0x4] =	wrdreg $0xC0  }
0xb2: {  	_ =	task [dreg:s10], $0x5FFFF  }
0xb3: {  	[dreg:$0x1] =	wrdreg $0xFFFFFFFF  }
0xb4: {  	[dreg:$0x0] =	wrdreg $0x60  }
0xb5: {  	[dreg:$0x2] =	wrdreg s16  }
0xb6: {  	[dreg:$0x3] =	wrdreg s4  }
0xb7: {  	[dreg:$0x4] =	wrdreg s17  }
0xb8: {  	[dreg:$0x5] =	wrdreg s18  }
0xb9: {  	[dreg:$0x6] =	wrdreg $0x9  }
0xba: {  	_ =	task.clear_ibuf [dreg:s10], $0x7FFFF;
	_ =	strace $0x90000046  }
0xbb: {  	s29 =	simm.s32 $0x9;
	_ =	strace $0x80000048  }
0xbc: {  	_ =	swait.ge [sflag:s29], $0x1  }
0xbd: {  	[sflag:s29] =	ssyncadd.s32 $0xFFFFFFFF  }
0xbe: {  	_ =	strace $0x90000048  }
0xbf: {  	_ =	sfence  }
0xc0: {  	s30 =	sld [smem:$0x0];
	_ =	sdelay $0x2  }
0xc1: {  	s31 =	sshll.u32 s1, $0xD;
	s1 =	sshrl.u32 s1, $0x2  }
0xc2: {  	s3 =	sand.u32 $0x4000, s31;
	s1 =	sadd.s32 s1, s30  }
0xc3: {  	s0 =	sor.u32 s3, s0;
	s1 =	sshll.u32 s1, $0x11  }
0xc4: {  	s0 =	sor.u32 s1, s0  }
0xc5: {  	s0 =	sadd.s32 $0x8F2B, s0  }
0xc6: {  	[sflag:s0] =	ssyncadd.remote.s32 $0x1  }
0xc7: {  	_ =	sfence.sel $0xFFFF  }
0xc8: {  	[dreg:$0x0] =	wrdreg $0xFFFFFFFF;
	(pc) =	sbr.abs _section_cstart, $3  }
0xc9: {  	[dreg:$0x1] =	wrdreg $0xFFFFFFFF  }
0xca: {  	_ =	task.clear_ibuf [dreg:s10], $0x2FFFF;
	_ =	strace $0x9FFFFFFF  }
0xcb: {  	(tm) =	ssettm $0x7FFFFFFF  }
tec
execute0_lowered:
.L_overlay_start_1:
0x0: {  	(tag) =	ssettag $0x1  }
0x1: {  	s16 =	rddreg [dreg:$0x0]  }
0x2: {  	s14 =	rddreg [dreg:$0x1]  }
0x3: {  	s15 =	rddreg [dreg:$0x2]  }
0x4: {  	s13 =	rddreg [dreg:$0x3]  }
0x5: {  	s0 =	rddreg [dreg:$0x4]  }
0x6: {  	s2 =	simm.s32 $0x0;
	s3 =	srdreg.scid;
	s1 =	stileid.u32  }
0x7: {  	s19 =	simm.s32 $0x1;
	s20 =	simm.s32 $0x2;
	s21 =	simm.s32 $0x3  }
0x8: {  	s22 =	simm.s32 $0x4;
	s23 =	simm.s32 $0x0;
	[smem:$0x7FF] =	sst s2  }
0x9: {  	s9 =	sand.u32 $0x1, s3;
	s4 =	sshll.u32 s1, $0xF;
	s11 =	sshll.u32 s1, $0x12  }
0xa: {  	p0 =	sgt.u32 s1, $0xD;
	s3 =	ssub.s32 $0x2, s9;
	s5 =	sshll.u32 s9, $0xE  }
0xb: {  	_ =	strace $0x80000047;
	s18 =	sshll.u32 s9, $0x11;
	s6 =	sshrl.u32 s3, $0x1  }
0xc: {  	s10 =	sor.u32 s5, s4;
	s11 =	sor.u32 s18, s11;
	s18 =	simm.s32 $0x8000  }
0xd: {  	s30 =	ssub.s32 s3, s6;
	s3 =	sadd.s32 $0x1000, s14;
	s8 =	sor.u32 $0x1000, s10  }
0xe: {  	s4 =	sadd.s32 s16, s10;
	s7 =	sadd.s32 s13, s10;
	s12 =	sor.u32 $0x2000, s10  }
.Ltmp0:
0xf: {  	s17 =	sor.u32 $0x3000, s10;
	s14 =	sadd.s32 s14, s11;
	(pc) =	sbr.rel .LBB2_1-.Ltmp0, $4  }
0x10: {  	s15 =	sadd.s32 s15, s11;
	s31 =	sadd.s32 s16, s11;
	s5 =	smax.u32 s30, $0x1  }
0x11: {  	s6 =	sadd.s32 s16, s8;
	s8 =	sadd.s32 s13, s8;
	s9 =	sadd.s32 s16, s12  }
0x12: {  	s10 =	sadd.s32 s16, s17;
	s12 =	sadd.s32 s13, s12;
	s13 =	sadd.s32 s13, s17  }
0x13: {  	s14 =	sadd.s32 $0xFFC80000, s14;
	s16 =	sadd.s32 $0x81000, s31;
	s17 =	sadd.s32 $0x80000, s31  }
.LBB2_7:
0x14: {  	s25 =	sadd.s32 s24, s11;
	_ =	swait.ge [sflag:s22], $0x8000  }
0x15: {  	s25 =	sadd.s32 $0xFFC80000, s25;
	[sflag:s22] =	ssyncset.done $0x0  }
0x16: {  	s26 =	sadd.s32 s24, s14;
	s25 =	sand.u32 $0x1FFFE000, s25;
	[sflag:s22] =	ssyncadd.s32 $0xFFFF8000  }
0x17: {  	[tilespmem:s2], [sflag:$0x1] =	stream.linear.gather [hbm4b:s26+s2], $0x8000, $0x38;
	[tilespmem:$0x10000] =	vst v63  }
0x18: {  	s25 =	sadd.s32 s25, s3  }
0x19: {  	[tilespmem:s18], [sflag:$0x2] =	stream.linear.gather [hbm4b:s25+s2], $0x8000, $0x38;
	[tilespmem:$0x10000] =	vst v63  }
0x1a: {  	_ =	swait.ge [sflag:s19], $0x8000  }
0x1b: {  	[sflag:s19] =	ssyncset.done $0x0  }
0x1c: {  	s31 =	sadd.s32 s24, s15;
	[sflag:s19] =	ssyncadd.s32 $0xFFFF8000  }
0x1d: {  	[hbm4b:s31+s2] =	stream.linear.scatter [tilespmem:s2], [sflag:$0x3], $0x8000, $0x38;
	[tilespmem:$0x10000] =	vst v63  }
0x1e: {  	_ =	swait.ge [sflag:s20], $0x8000  }
0x1f: {  	[sflag:s20] =	ssyncset.done $0x0  }
0x20: {  	s24 =	sadd.s32 $0x1000, s31;
	[sflag:s20] =	ssyncadd.s32 $0xFFFF8000  }
0x21: {  	[hbm4b:s24+s2] =	stream.linear.scatter [tilespmem:s18], [sflag:$0x4], $0x8000, $0x38;
	[tilespmem:$0x10000] =	vst v63  }
0x22: {  	_ =	swait.ge [sflag:s21], $0x8000  }
0x23: {  	[sflag:s21] =	ssyncset.done $0x0  }
0x24: {  	[sflag:s21] =	ssyncadd.s32 $0xFFFF8000  }
0x25: {  	_ =	swait.ge [sflag:s22], $0x8000  }
0x26: {  	[sflag:s22] =	ssyncset.done $0x0  }
0x27: {  	[sflag:s22] =	ssyncadd.s32 $0xFFFF8000  }
.LBB2_8:
0x28: {  	[tilespmem:s2], [sflag:$0x1] =	stream.linear.gather [hbm4b:s4+s2], $0x8000, $0x38;
	[tilespmem:$0x10000] =	vst v63  }
0x29: {  	_ = 	snop  }
0x2a: {  	[tilespmem:s18], [sflag:$0x2] =	stream.linear.gather [hbm4b:s6+s2], $0x8000, $0x38;
	[tilespmem:$0x10000] =	vst v63  }
0x2b: {  	_ =	swait.ge [sflag:s19], $0x8000  }
0x2c: {  	[sflag:s19] =	ssyncset.done $0x0  }
0x2d: {  	[sflag:s19] =	ssyncadd.s32 $0xFFFF8000  }
0x2e: {  	[hbm4b:s7+s2] =	stream.linear.scatter [tilespmem:s2], [sflag:$0x3], $0x8000, $0x38;
	[tilespmem:$0x10000] =	vst v63  }
0x2f: {  	_ =	swait.ge [sflag:s20], $0x8000  }
0x30: {  	[sflag:s20] =	ssyncset.done $0x0  }
0x31: {  	[sflag:s20] =	ssyncadd.s32 $0xFFFF8000  }
0x32: {  	[hbm4b:s8+s2] =	stream.linear.scatter [tilespmem:s18], [sflag:$0x4], $0x8000, $0x38;
	[tilespmem:$0x10000] =	vst v63  }
0x33: {  	_ =	swait.ge [sflag:s21], $0x8000  }
0x34: {  	[sflag:s21] =	ssyncset.done $0x0  }
0x35: {  	[sflag:s21] =	ssyncadd.s32 $0xFFFF8000  }
0x36: {  	_ =	swait.ge [sflag:s22], $0x8000  }
0x37: {  	[sflag:s22] =	ssyncset.done $0x0  }
0x38: {  	[sflag:s22] =	ssyncadd.s32 $0xFFFF8000  }
0x39: {  	[tilespmem:s2], [sflag:$0x1] =	stream.linear.gather [hbm4b:s9+s2], $0x8000, $0x38;
	[tilespmem:$0x10000] =	vst v63  }
0x3a: {  	_ = 	snop  }
0x3b: {  	[tilespmem:s18], [sflag:$0x2] =	stream.linear.gather [hbm4b:s10+s2], $0x8000, $0x38;
	[tilespmem:$0x10000] =	vst v63  }
0x3c: {  	_ =	swait.ge [sflag:s19], $0x8000  }
0x3d: {  	[sflag:s19] =	ssyncset.done $0x0  }
0x3e: {  	[sflag:s19] =	ssyncadd.s32 $0xFFFF8000  }
0x3f: {  	[hbm4b:s12+s2] =	stream.linear.scatter [tilespmem:s2], [sflag:$0x3], $0x8000, $0x38;
	[tilespmem:$0x10000] =	vst v63  }
0x40: {  	_ =	swait.ge [sflag:s20], $0x8000  }
0x41: {  	[sflag:s20] =	ssyncset.done $0x0  }
0x42: {  	s23 =	sadd.s32 $0x1, s23;
	[sflag:s20] =	ssyncadd.s32 $0xFFFF8000  }
0x43: {  	[hbm4b:s13+s2] =	stream.linear.scatter [tilespmem:s18], [sflag:$0x4], $0x8000, $0x38;
	[tilespmem:$0x10000] =	vst v63  }
0x44: {  	p1 =	sne.s32 s23, s5;
	_ =	swait.ge [sflag:s21], $0x8000  }
.Ltmp1:
0x45: {  	[sflag:s21] =	ssyncset.done $0x0;
	(pc) =	sbr.rel @!p1 .LBB2_9-.Ltmp1, $4  }
0x46: {  	[sflag:s21] =	ssyncadd.s32 $0xFFFF8000  }
0x47: {  	_ =	swait.ge [sflag:s22], $0x8000  }
0x48: {  	[sflag:s22] =	ssyncset.done $0x0  }
0x49: {  	[sflag:s22] =	ssyncadd.s32 $0xFFFF8000  }
.LBB2_1:
.Ltmp2:
0x4a: {  	(pc) =	sbr.rel @p0 .LBB2_5-.Ltmp2, $1  }
0x4b: {  	_ =	sdelay $0x3  }
0x4c: {  	s24 =	sadd.s32 $0x0, s17  }
0x4d: {  	[tilespmem:s2], [sflag:$0x1] =	stream.linear.gather [hbm4b:s24+s2], $0x8000, $0x38;
	[tilespmem:$0x10000] =	vst v63  }
0x4e: {  	s30 =	sadd.s32 $0x0, s16  }
0x4f: {  	[tilespmem:s18], [sflag:$0x2] =	stream.linear.gather [hbm4b:s30+s2], $0x8000, $0x38;
	[tilespmem:$0x10000] =	vst v63  }
0x50: {  	_ =	swait.ge [sflag:s19], $0x8000  }
0x51: {  	[sflag:s19] =	ssyncset.done $0x0  }
0x52: {  	s31 =	sadd.s32 $0x0, s15;
	[sflag:s19] =	ssyncadd.s32 $0xFFFF8000  }
0x53: {  	[hbm4b:s31+s2] =	stream.linear.scatter [tilespmem:s2], [sflag:$0x3], $0x8000, $0x38;
	[tilespmem:$0x10000] =	vst v63  }
0x54: {  	_ =	swait.ge [sflag:s20], $0x8000  }
0x55: {  	[sflag:s20] =	ssyncset.done $0x0  }
0x56: {  	s24 =	sadd.s32 $0x1000, s31;
	[sflag:s20] =	ssyncadd.s32 $0xFFFF8000  }
0x57: {  	[hbm4b:s24+s2] =	stream.linear.scatter [tilespmem:s18], [sflag:$0x4], $0x8000, $0x38;
	[tilespmem:$0x10000] =	vst v63  }
0x58: {  	_ =	swait.ge [sflag:s21], $0x8000  }
0x59: {  	[sflag:s21] =	ssyncset.done $0x0  }
0x5a: {  	[sflag:s21] =	ssyncadd.s32 $0xFFFF8000  }
0x5b: {  	_ =	swait.ge [sflag:s22], $0x8000  }
0x5c: {  	s25 =	simm.s32 $0x4000;
	s24 =	simm.s32 $0x2000;
	[sflag:s22] =	ssyncset.done $0x0  }
.LBB2_3:
0x5d: {  	s26 =	sadd.s32 s24, s17  }
0x5e: {  	[sflag:s22] =	ssyncadd.s32 $0xFFFF8000;
	s28 =	smov.u32 s25;
	s29 =	sadd.s32 $0x2000, s25  }
0x5f: {  	[tilespmem:s2], [sflag:$0x1] =	stream.linear.gather [hbm4b:s26+s2], $0x8000, $0x38;
	[tilespmem:$0x10000] =	vst v63  }
0x60: {  	p1 =	seq.s32 s25, $0x1E000;
	s25 =	sadd.s32 s24, s16  }
0x61: {  	[tilespmem:s18], [sflag:$0x2] =	stream.linear.gather [hbm4b:s25+s2], $0x8000, $0x38;
	[tilespmem:$0x10000] =	vst v63  }
0x62: {  	_ =	swait.ge [sflag:s19], $0x8000  }
0x63: {  	[sflag:s19] =	ssyncset.done $0x0  }
0x64: {  	s25 =	sadd.s32 s24, s15;
	s24 =	smov.u32 s28;
	[sflag:s19] =	ssyncadd.s32 $0xFFFF8000  }
0x65: {  	[hbm4b:s25+s2] =	stream.linear.scatter [tilespmem:s2], [sflag:$0x3], $0x8000, $0x38;
	[tilespmem:$0x10000] =	vst v63  }
0x66: {  	_ =	swait.ge [sflag:s20], $0x8000  }
0x67: {  	[sflag:s20] =	ssyncset.done $0x0  }
0x68: {  	s25 =	sadd.s32 $0x1000, s25;
	[sflag:s20] =	ssyncadd.s32 $0xFFFF8000  }
0x69: {  	[hbm4b:s25+s2] =	stream.linear.scatter [tilespmem:s18], [sflag:$0x4], $0x8000, $0x38;
	[tilespmem:$0x10000] =	vst v63  }
.Ltmp3:
0x6a: {  	_ =	swait.ge [sflag:s21], $0x8000;
	(pc) =	sbr.rel @!p1 .LBB2_3-.Ltmp3, $4  }
0x6b: {  	[sflag:s21] =	ssyncset.done $0x0  }
0x6c: {  	[sflag:s21] =	ssyncadd.s32 $0xFFFF8000  }
0x6d: {  	_ =	swait.ge [sflag:s22], $0x8000  }
0x6e: {  	s25 =	smov.u32 s29;
	[sflag:s22] =	ssyncset.done $0x0  }
0x6f: {  	s25 =	sadd.s32 s24, s17;
	[sflag:s22] =	ssyncadd.s32 $0xFFFF8000  }
0x70: {  	[tilespmem:s2], [sflag:$0x1] =	stream.linear.gather [hbm4b:s25+s2], $0x8000, $0x38;
	[tilespmem:$0x10000] =	vst v63  }
0x71: {  	s30 =	sadd.s32 s24, s16  }
0x72: {  	[tilespmem:s18], [sflag:$0x2] =	stream.linear.gather [hbm4b:s30+s2], $0x8000, $0x38;
	[tilespmem:$0x10000] =	vst v63  }
0x73: {  	_ =	swait.ge [sflag:s19], $0x8000  }
0x74: {  	[sflag:s19] =	ssyncset.done $0x0  }
0x75: {  	s31 =	sadd.s32 s24, s15;
	[sflag:s19] =	ssyncadd.s32 $0xFFFF8000  }
0x76: {  	[hbm4b:s31+s2] =	stream.linear.scatter [tilespmem:s2], [sflag:$0x3], $0x8000, $0x38;
	[tilespmem:$0x10000] =	vst v63  }
0x77: {  	_ =	swait.ge [sflag:s20], $0x8000  }
0x78: {  	[sflag:s20] =	ssyncset.done $0x0  }
0x79: {  	s24 =	sadd.s32 $0x1000, s31;
	[sflag:s20] =	ssyncadd.s32 $0xFFFF8000  }
0x7a: {  	[hbm4b:s24+s2] =	stream.linear.scatter [tilespmem:s18], [sflag:$0x4], $0x8000, $0x38;
	[tilespmem:$0x10000] =	vst v63  }
0x7b: {  	_ =	swait.ge [sflag:s21], $0x8000  }
.Ltmp4:
0x7c: {  	[sflag:s21] =	ssyncset.done $0x0;
	(pc) =	sbr.rel .LBB2_8-.Ltmp4, $4  }
0x7d: {  	[sflag:s21] =	ssyncadd.s32 $0xFFFF8000  }
0x7e: {  	_ =	swait.ge [sflag:s22], $0x8000  }
0x7f: {  	[sflag:s22] =	ssyncset.done $0x0  }
0x80: {  	[sflag:s22] =	ssyncadd.s32 $0xFFFF8000  }
.LBB2_5:
0x81: {  	s24 =	sadd.s32 $0x0, s11  }
0x82: {  	s25 =	sadd.s32 $0x0, s14;
	s24 =	sadd.s32 $0xFFC80000, s24  }
0x83: {  	[tilespmem:s2], [sflag:$0x1] =	stream.linear.gather [hbm4b:s25+s2], $0x8000, $0x38;
	[tilespmem:$0x10000] =	vst v63  }
0x84: {  	s24 =	sand.u32 $0x1FFFE000, s24  }
0x85: {  	s24 =	sadd.s32 s24, s3  }
0x86: {  	[tilespmem:s18], [sflag:$0x2] =	stream.linear.gather [hbm4b:s24+s2], $0x8000, $0x38;
	[tilespmem:$0x10000] =	vst v63  }
0x87: {  	_ =	swait.ge [sflag:s19], $0x8000  }
0x88: {  	[sflag:s19] =	ssyncset.done $0x0  }
0x89: {  	s31 =	sadd.s32 $0x0, s15;
	[sflag:s19] =	ssyncadd.s32 $0xFFFF8000  }
0x8a: {  	[hbm4b:s31+s2] =	stream.linear.scatter [tilespmem:s2], [sflag:$0x3], $0x8000, $0x38;
	[tilespmem:$0x10000] =	vst v63  }
0x8b: {  	_ =	swait.ge [sflag:s20], $0x8000  }
0x8c: {  	[sflag:s20] =	ssyncset.done $0x0  }
0x8d: {  	s24 =	sadd.s32 $0x1000, s31;
	[sflag:s20] =	ssyncadd.s32 $0xFFFF8000  }
0x8e: {  	[hbm4b:s24+s2] =	stream.linear.scatter [tilespmem:s18], [sflag:$0x4], $0x8000, $0x38;
	[tilespmem:$0x10000] =	vst v63  }
0x8f: {  	_ =	swait.ge [sflag:s21], $0x8000  }
0x90: {  	[sflag:s21] =	ssyncset.done $0x0  }
0x91: {  	s25 =	simm.s32 $0x4000;
	s24 =	simm.s32 $0x2000;
	[sflag:s21] =	ssyncadd.s32 $0xFFFF8000  }
.LBB2_6:
0x92: {  	s26 =	sadd.s32 s24, s11  }
0x93: {  	_ =	swait.ge [sflag:s22], $0x8000;
	s28 =	smov.u32 s25;
	s29 =	sadd.s32 $0x2000, s25  }
0x94: {  	p1 =	sne.s32 s25, $0x1E000;
	s25 =	sadd.s32 $0xFFC80000, s26;
	[sflag:s22] =	ssyncset.done $0x0  }
0x95: {  	s26 =	sadd.s32 s24, s14;
	s25 =	sand.u32 $0x1FFFE000, s25;
	[sflag:s22] =	ssyncadd.s32 $0xFFFF8000  }
0x96: {  	s25 =	sadd.s32 s25, s3  }
0x97: {  	[tilespmem:s2], [sflag:$0x1] =	stream.linear.gather [hbm4b:s26+s2], $0x8000, $0x38;
	[tilespmem:$0x10000] =	vst v63  }
0x98: {  	_ = 	snop  }
0x99: {  	[tilespmem:s18], [sflag:$0x2] =	stream.linear.gather [hbm4b:s25+s2], $0x8000, $0x38;
	[tilespmem:$0x10000] =	vst v63  }
0x9a: {  	_ =	swait.ge [sflag:s19], $0x8000  }
0x9b: {  	s25 =	sadd.s32 s24, s15;
	s24 =	smov.u32 s28;
	[sflag:s19] =	ssyncset.done $0x0  }
0x9c: {  	[sflag:s19] =	ssyncadd.s32 $0xFFFF8000  }
0x9d: {  	[hbm4b:s25+s2] =	stream.linear.scatter [tilespmem:s2], [sflag:$0x3], $0x8000, $0x38;
	[tilespmem:$0x10000] =	vst v63  }
0x9e: {  	_ =	swait.ge [sflag:s20], $0x8000  }
0x9f: {  	s25 =	sadd.s32 $0x1000, s25;
	[sflag:s20] =	ssyncset.done $0x0  }
.Ltmp5:
0xa0: {  	[sflag:s20] =	ssyncadd.s32 $0xFFFF8000;
	(pc) =	sbr.rel @p1 .LBB2_6-.Ltmp5, $4  }
0xa1: {  	[hbm4b:s25+s2] =	stream.linear.scatter [tilespmem:s18], [sflag:$0x4], $0x8000, $0x38;
	[tilespmem:$0x10000] =	vst v63  }
0xa2: {  	_ =	swait.ge [sflag:s21], $0x8000  }
0xa3: {  	[sflag:s21] =	ssyncset.done $0x0  }
0xa4: {  	s25 =	smov.u32 s29;
	[sflag:s21] =	ssyncadd.s32 $0xFFFF8000  }
.Ltmp6:
0xa5: {  	_ = 	snop;
	(pc) =	sbr.rel .LBB2_7-.Ltmp6, $1  }
0xa6: {  	_ =	sdelay $0x3  }
.LBB2_9:
0xa7: {  	_ =	sfence.sel $0x180000  }
0xa8: {  	[bflag:$0x0] =	sbarrier.arrive $0xFFFF  }
0xa9: {  	p0 =	sne.s32 s1, $0x0;
	_ =	strace $0x90000047  }
0xaa: {  	s0 =	sadd.s32 @!p0 $0x100000, s0;
	[bflag:$0x2] =	sbarrier.arrive $0xFFFF  }
0xab: {  	[sflag:s0] =	ssyncadd.tile.s32 @!p0 $0x1;
	_ =	shalt  }
.Lfunc_end2:
_tile_overlayer_lowered:
.L_overlay_start_2:
0xac: {  	(tag) =	ssettag $0x2  }
0xad: {  	s0 =	rddreg [dreg:$0x0];
	s2 =	stileid.u32  }
0xae: {  	s1 =	rddreg [dreg:$0x1];
	p0 =	sne.s32 s2, $0x0  }
0xaf: {  	s3 =	rddreg [dreg:$0x2];
	[bflag:$0x3] =	sbarrier.arrive $0xFFFF;
	s2 =	simm.s32 @!p0 $0x1C05  }
0xb0: {  	[timem:s3], [sflag:s2] =	dma.local @!p0 [hbm:s0], s1  }
0xb1: {  	s0 =	simm.s32 @!p0 $0x5  }
0xb2: {  	_ =	swait.ge @!p0 [sflag:s0], s1  }
0xb3: {  	s1 =	ssub.s32 @!p0 $0x0, s1;
	[sflag:s0] =	ssyncset.done @!p0 $0x0  }
0xb4: {  	[sflag:s0] =	ssyncadd.s32 @!p0 s1  }
0xb5: {  	[bflag:$0x3] =	sbarrier.arrive $0xFFFF  }
0xb6: {  	_ =	shalt  }

</sc_bundles>
